<compile_context>
chip_gen: v7x
topology: tpu7x:2x2x1
jax: 0.10.2.dev20260603
libtpu: 0.0.44.dev20260713+nightly
codegen_flags: <defaults>
</compile_context>

<pallas_src>
import functools

import jax
import jax.numpy as jnp
from jax import lax
from jax.experimental import pallas as pl
from jax.experimental.pallas import tpu as pltpu
from jax.experimental.pallas import tpu_sc as plsc

BS = 4096
P = 100
V = 10000
D = 64

_NC = 2
_NS = 16
_NW = _NC * _NS
_CHUNK = (2 * BS) // _NW
_L = 16
_BT = 512
_MP = 104


def _sc_gather_body(ti_hbm, table_hbm, out_hbm, ti_v, rows_v, sem):
    wid = lax.axis_index("s") * _NC + lax.axis_index("c")
    base = wid * _CHUNK
    j = wid // _NS
    b0 = lax.rem(wid, _NS) * _CHUNK
    pltpu.sync_copy(ti_hbm.at[j, pl.ds(b0, _CHUNK)], ti_v)
    pltpu.async_copy(table_hbm.at[ti_v], rows_v, sem).wait()
    pltpu.sync_copy(rows_v, out_hbm.at[pl.ds(base, _CHUNK)])


@functools.cache
def _sc_gather():
    return pl.kernel(
        _sc_gather_body,
        mesh=plsc.VectorSubcoreMesh(core_axis_name="c", subcore_axis_name="s"),
        compiler_params=pltpu.CompilerParams(use_tc_tiling_on_sc=False),
        out_type=jax.ShapeDtypeStruct((2 * BS, D), jnp.float32),
        scratch_types=[
            pltpu.VMEM((_CHUNK,), jnp.int32),
            pltpu.VMEM((_CHUNK, D), jnp.float32),
            pltpu.SemaphoreType.DMA,
        ],
    )


def _tc_idx_body(x_ref, feat_ref, ti_ref):
    x0 = x_ref[...][:, 0, :].astype(jnp.float32)
    f = feat_ref[...]
    iota = lax.broadcasted_iota(jnp.int32, (_BT, P), 1)
    oh0 = (iota == f[:, 0:1]).astype(jnp.float32)
    oh1 = (iota == f[:, 1:2]).astype(jnp.float32)
    xg0 = jnp.sum(x0 * oh0, axis=1)
    xg1 = jnp.sum(x0 * oh1, axis=1)
    ti_ref[0, :] = xg0.astype(jnp.int32) + f[:, 0] * V
    ti_ref[1, :] = xg1.astype(jnp.int32) + f[:, 1] * V


_tc_idx = pl.pallas_call(
    _tc_idx_body,
    grid=(BS // _BT,),
    in_specs=[
        pl.BlockSpec((_BT, 2, P), lambda i: (i, 0, 0)),
        pl.BlockSpec((_BT, 2), lambda i: (i, 0)),
    ],
    out_specs=pl.BlockSpec((2, _BT), lambda i: (0, i)),
    out_shape=jax.ShapeDtypeStruct((2, BS), jnp.int32),
)


def _tc_body(rows_ref, feat_ref, mark_ref, w_ref, b_ref, ff_ref, mask_ref,
             pred_ref):
    f = feat_ref[...]
    iota = lax.broadcasted_iota(jnp.int32, (_BT, _MP), 1)
    hi = jax.lax.Precision.HIGHEST
    dn = (((1,), (0,)), ((), ()))
    oh0 = (iota == f[:, 0:1] + 1).astype(jnp.float32)
    oh1 = (iota == f[:, 1:2] + 1).astype(jnp.float32)
    m0 = lax.dot_general(oh0, mark_ref[...], dn, precision=hi,
                         preferred_element_type=jnp.float32)
    m1 = lax.dot_general(oh1, mark_ref[...], dn, precision=hi,
                         preferred_element_type=jnp.float32)
    ff0 = rows_ref[0] + m0
    ff1 = rows_ref[1] + m1
    ff_ref[0] = ff0
    ff_ref[1] = ff1
    wmat = w_ref[...]
    dnt = (((1,), (1,)), ((), ()))
    pred = lax.dot_general(ff0, wmat[:, :D], dnt, precision=hi,
                           preferred_element_type=jnp.float32)
    pred += lax.dot_general(ff1, wmat[:, D:], dnt, precision=hi,
                            preferred_element_type=jnp.float32)
    pred_ref[...] = pred + b_ref[...][None, :]
    mask_ref[...] = f == 0


_tc_finish = pl.pallas_call(
    _tc_body,
    grid=(BS // _BT,),
    in_specs=[
        pl.BlockSpec((2, _BT, D), lambda i: (0, i, 0)),
        pl.BlockSpec((_BT, 2), lambda i: (i, 0)),
        pl.BlockSpec((_MP, D), lambda i: (0, 0)),
        pl.BlockSpec((P, 2 * D), lambda i: (0, 0)),
        pl.BlockSpec((P,), lambda i: (0,)),
    ],
    out_specs=[
        pl.BlockSpec((2, _BT, D), lambda i: (0, i, 0)),
        pl.BlockSpec((_BT, 2), lambda i: (i, 0)),
        pl.BlockSpec((_BT, P), lambda i: (i, 0)),
    ],
    out_shape=[
        jax.ShapeDtypeStruct((2, BS, D), jnp.float32),
        jax.ShapeDtypeStruct((BS, 2), jnp.bool_),
        jax.ShapeDtypeStruct((BS, P), jnp.float32),
    ],
)


def kernel(x, features, table, mark_features, dummy_feature, W, b, idx_offset):
    del dummy_feature, idx_offset
    ti = _tc_idx(x, features)
    rows = _sc_gather()(ti, table)
    mark = mark_features.reshape(P + 1, D)
    mark = jnp.pad(mark, ((0, _MP - (P + 1)), (0, 0)))
    ff, mask, pred_n = _tc_finish(rows.reshape(2, BS, D), features, mark, W, b)
    return ff, mask, pred_n

# --- scband reference (transcript-rebuilt; emitter-appended) ---
"""Pipeline reference for scband-simple-sender-8564164788259 (READ-ONLY COPY).

The authoritative reference and input builder live on the scoring server;
editing this copy changes nothing except your own understanding.
"""

import jax, jax.numpy as jnp
import numpy as np

BS = 4096
P = 100
V = 10000
D = 64

def setup_inputs(seed: int = 0) -> dict:
    key = jax.random.key(seed)
    ks = jax.random.split(key, 8)
    x = jax.random.randint(ks[0], (BS, 2, P), 0, V, dtype=jnp.int32)
    features = jax.random.randint(ks[1], (BS, 2), 0, P, dtype=jnp.int32)
    table = jax.random.normal(ks[2], (1 + V * P, D), dtype=jnp.float32) * 0.02
    mark_features = jax.random.normal(ks[3], (1, P + 1, D), dtype=jnp.float32)
    dummy_feature = jax.random.normal(ks[4], (1, 1, D), dtype=jnp.float32)
    W = jax.random.normal(ks[5], (P, 2 * D), dtype=jnp.float32) * 0.05
    b = jnp.zeros((P,), dtype=jnp.float32)
    idx_offset = jnp.arange(P, dtype=jnp.int32) * V
    return {"x": x, "features": features, "table": table, "mark_features": mark_features, "dummy_feature": dummy_feature, "W": W, "b": b, "idx_offset": idx_offset}

def reference(x, features, table, mark_features, dummy_feature, W, b, idx_offset):
    bs = x.shape[0]
    d = table.shape[1]
    x0 = x[:, 0]
    obj_emb = jnp.take(table, x0 + idx_offset[None, :], axis=0)
    z = jnp.concatenate([jnp.broadcast_to(dummy_feature, (bs, 1, d)), obj_emb], axis=1)
    z = z + mark_features
    n_max_nec = features.shape[1]
    idx = jnp.broadcast_to((features + 1)[:, :, None], (bs, n_max_nec, d))
    ff = jnp.take_along_axis(z, idx, axis=1)
    pred_n = ff.reshape(bs, -1) @ W.T + b
    mask = features == 0
    return (jnp.swapaxes(ff, 0, 1), mask, pred_n)

if __name__ == "__main__":
    import jax
    _d = setup_inputs()
    print(jax.jit(kernel)(*tuple(_d.values())))

</pallas_src>

<mosaic_0001>
#map = affine_map<(d0, d1) -> (0, 0)>
module attributes {stable_mosaic.version = 14 : i64} {
  func.func @_sc_gather_body(%arg0: i32, %arg1: i32, %arg2: memref<2x4096xi32, #tpu.memory_space<hbm>>, %arg3: memref<1000001x64xf32, #tpu.memory_space<hbm>>, %arg4: memref<8192x64xf32, #tpu.memory_space<hbm>>, %arg5: memref<256xi32, #tpu.memory_space<vmem>>, %arg6: memref<256x64xf32, #tpu.memory_space<vmem>>, %arg7: memref<!tpu.dma_semaphore, #tpu.memory_space<semaphore_mem>>) attributes {dimension_semantics = [#tpu.dimension_semantics<core_parallel>, #tpu.dimension_semantics<subcore_parallel>], iteration_bounds = array<i64: 2, 16>, scalar_prefetch = 0 : i64, scratch_operands = 3 : i64, tpu.core_type = #tpu.core_type<sc_vector_subcore>, window_params = [{transform_indices = #map}, {transform_indices = #map}, {transform_indices = #map}]} {
    %mul3A = arith.constant 2 : i32
    %mul3A_0 = arith.muli %arg1, %mul3A : i32
    %add3A = arith.addi %mul3A_0, %arg0 : i32
    %mul3A_1 = arith.constant 256 : i32
    %mul3A_2 = arith.muli %add3A, %mul3A_1 : i32
    %jit3A = arith.constant 16 : i32
    %div3A = arith.divsi %add3A, %jit3A : i32
    %sign3A = arith.constant 0 : i32
    %sign3A_3 = arith.cmpi sgt, %add3A, %sign3A : i32
    %sign3A_4 = arith.extui %sign3A_3 : i1 to i32
    %sign3A_5 = arith.constant 0 : i32
    %sign3A_6 = arith.cmpi slt, %add3A, %sign3A_5 : i32
    %sign3A_7 = arith.extui %sign3A_6 : i1 to i32
    %sign3A_8 = arith.subi %sign3A_4, %sign3A_7 : i32
    %sign3A_9 = arith.constant 0 : i32
    %sign3A_10 = arith.cmpi sgt, %jit3A, %sign3A_9 : i32
    %sign3A_11 = arith.extui %sign3A_10 : i1 to i32
    %sign3A_12 = arith.constant 0 : i32
    %sign3A_13 = arith.cmpi slt, %jit3A, %sign3A_12 : i32
    %sign3A_14 = arith.extui %sign3A_13 : i1 to i32
    %sign3A_15 = arith.subi %sign3A_11, %sign3A_14 : i32
    %ne3A = arith.cmpi ne, %sign3A_8, %sign3A_15 : i32
    %rem3A = arith.remsi %add3A, %jit3A : i32
    %ne3A_16 = arith.constant 0 : i32
    %ne3A_17 = arith.cmpi ne, %rem3A, %ne3A_16 : i32
    %and3A = arith.andi %ne3A, %ne3A_17 : i1
    %sub3A = arith.constant 1 : i32
    %sub3A_18 = arith.subi %div3A, %sub3A : i32
    %select_n3A = arith.select %and3A, %sub3A_18, %div3A : i32
    %rem3A_19 = arith.constant 16 : i32
    %rem3A_20 = arith.remsi %add3A, %rem3A_19 : i32
    %mul3A_21 = arith.constant 256 : i32
    %mul3A_22 = arith.muli %rem3A_20, %mul3A_21 : i32
    "tpu.region"() ({
      %run_scoped3A = tpu.sem_alloc : memref<!tpu.dma_semaphore, #tpu.memory_space<semaphore_mem>>
      %dma_start3A_27 = tpu.memref_slice %arg2[%select_n3A, %mul3A_22] : memref<2x4096xi32, #tpu.memory_space<hbm>> -> memref<1x256xi32, #tpu.memory_space<hbm>>
      %dma_start3A_28 = tpu.memref_squeeze %dma_start3A_27 : memref<1x256xi32, #tpu.memory_space<hbm>> -> memref<256xi32, #tpu.memory_space<hbm>>
      %dma_start3A_29 = tpu.memref_slice %arg2[%select_n3A, %mul3A_22] : memref<2x4096xi32, #tpu.memory_space<hbm>> -> memref<1x256xi32, #tpu.memory_space<hbm>>
      %dma_start3A_30 = tpu.memref_squeeze %dma_start3A_29 : memref<1x256xi32, #tpu.memory_space<hbm>> -> memref<256xi32, #tpu.memory_space<hbm>>
      tpu.enqueue_dma source(%dma_start3A_30 : memref<256xi32, #tpu.memory_space<hbm>>) target(%arg5 : memref<256xi32, #tpu.memory_space<vmem>>) target_semaphore(%run_scoped3A : memref<!tpu.dma_semaphore, #tpu.memory_space<semaphore_mem>>)
      %dma_wait3A_31 = tpu.memref_slice %arg2[%select_n3A, %mul3A_22] : memref<2x4096xi32, #tpu.memory_space<hbm>> -> memref<1x256xi32, #tpu.memory_space<hbm>>
      %dma_wait3A_32 = tpu.memref_squeeze %dma_wait3A_31 : memref<1x256xi32, #tpu.memory_space<hbm>> -> memref<256xi32, #tpu.memory_space<hbm>>
      %dma_wait3A_33 = tpu.memref_slice %arg2[%select_n3A, %mul3A_22] : memref<2x4096xi32, #tpu.memory_space<hbm>> -> memref<1x256xi32, #tpu.memory_space<hbm>>
      %dma_wait3A_34 = tpu.memref_squeeze %dma_wait3A_33 : memref<1x256xi32, #tpu.memory_space<hbm>> -> memref<256xi32, #tpu.memory_space<hbm>>
      tpu.wait_dma2 semaphore(%run_scoped3A : memref<!tpu.dma_semaphore, #tpu.memory_space<semaphore_mem>>) src(%dma_wait3A_34 : memref<256xi32, #tpu.memory_space<hbm>>) dst(%arg5 : memref<256xi32, #tpu.memory_space<vmem>>)
      tpu.yield
    }) : () -> ()
    %dma_start3A = arith.constant 0 : i32
    %dma_start3A_23 = arith.constant 0 : i32
    %dma_start3A_24 = tpu.memref_slice %arg3[%dma_start3A, %dma_start3A_23] : memref<1000001x64xf32, #tpu.memory_space<hbm>> -> memref<1000001x64xf32, #tpu.memory_space<hbm>>
    tpu.enqueue_indirect_dma source(%dma_start3A_24 : memref<1000001x64xf32, #tpu.memory_space<hbm>>) target(%arg6 : memref<256x64xf32, #tpu.memory_space<vmem>>) offsets(%arg5 : memref<256xi32, #tpu.memory_space<vmem>>) semaphore(%arg7 : memref<!tpu.dma_semaphore, #tpu.memory_space<semaphore_mem>>)
    %dma_wait3A = arith.constant 0 : i32
    %dma_wait3A_25 = arith.constant 0 : i32
    %dma_wait3A_26 = tpu.memref_slice %arg3[%dma_wait3A, %dma_wait3A_25] : memref<1000001x64xf32, #tpu.memory_space<hbm>> -> memref<1000001x64xf32, #tpu.memory_space<hbm>>
    tpu.wait_indirect_dma semaphore(%arg7 : memref<!tpu.dma_semaphore, #tpu.memory_space<semaphore_mem>>) src(%dma_wait3A_26 : memref<1000001x64xf32, #tpu.memory_space<hbm>>) dst(%arg6 : memref<256x64xf32, #tpu.memory_space<vmem>>)
    "tpu.region"() ({
      %run_scoped3A = tpu.sem_alloc : memref<!tpu.dma_semaphore, #tpu.memory_space<semaphore_mem>>
      %dma_start3A_27 = arith.constant 0 : i32
      %dma_start3A_28 = tpu.memref_slice %arg4[%mul3A_2, %dma_start3A_27] : memref<8192x64xf32, #tpu.memory_space<hbm>> -> memref<256x64xf32, #tpu.memory_space<hbm>>
      %dma_start3A_29 = arith.constant 0 : i32
      %dma_start3A_30 = tpu.memref_slice %arg4[%mul3A_2, %dma_start3A_29] : memref<8192x64xf32, #tpu.memory_space<hbm>> -> memref<256x64xf32, #tpu.memory_space<hbm>>
      tpu.enqueue_dma source(%arg6 : memref<256x64xf32, #tpu.memory_space<vmem>>) target(%dma_start3A_30 : memref<256x64xf32, #tpu.memory_space<hbm>>) target_semaphore(%run_scoped3A : memref<!tpu.dma_semaphore, #tpu.memory_space<semaphore_mem>>)
      %dma_wait3A_31 = arith.constant 0 : i32
      %dma_wait3A_32 = tpu.memref_slice %arg4[%mul3A_2, %dma_wait3A_31] : memref<8192x64xf32, #tpu.memory_space<hbm>> -> memref<256x64xf32, #tpu.memory_space<hbm>>
      %dma_wait3A_33 = arith.constant 0 : i32
      %dma_wait3A_34 = tpu.memref_slice %arg4[%mul3A_2, %dma_wait3A_33] : memref<8192x64xf32, #tpu.memory_space<hbm>> -> memref<256x64xf32, #tpu.memory_space<hbm>>
      tpu.wait_dma2 semaphore(%run_scoped3A : memref<!tpu.dma_semaphore, #tpu.memory_space<semaphore_mem>>) src(%arg6 : memref<256x64xf32, #tpu.memory_space<vmem>>) dst(%dma_wait3A_34 : memref<256x64xf32, #tpu.memory_space<hbm>>)
      tpu.yield
    }) : () -> ()
    return
  }
}

module attributes {stable_mosaic.version = 14 : i64} {
  func.func @_tc_idx_body(%arg0: i32, %arg1: memref<512x2x100xi32, #tpu.memory_space<vmem>>, %arg2: memref<512x2xi32, #tpu.memory_space<vmem>>, %arg3: memref<2x512xi32, #tpu.memory_space<vmem>>) attributes {dimension_semantics = [#tpu.dimension_semantics<arbitrary>], iteration_bounds = array<i64: 8>, scalar_prefetch = 0 : i64, scratch_operands = 0 : i64, tpu.core_type = #tpu.core_type<tc>, window_params = [{transform_indices = @transform_0, window_bounds = array<i64: 512, 2, 100>}, {transform_indices = @transform_1, window_bounds = array<i64: 512, 2>}, {transform_indices = @transform_2, window_bounds = array<i64: 2, 512>}]} {
    %get3A = arith.constant 0 : index
    %get3A_0 = arith.constant 0 : index
    %get3A_1 = arith.constant 0 : index
    %get3A_2 = vector.load %arg1[%get3A, %get3A_0, %get3A_1] : memref<512x2x100xi32, #tpu.memory_space<vmem>>, vector<512x2x100xi32>
    %slice3A = vector.extract_strided_slice %get3A_2 {offsets = [0, 0, 0], sizes = [512, 1, 100], strides = [1, 1, 1]} : vector<512x2x100xi32> to vector<512x1x100xi32>
    %squeeze3A = vector.shape_cast %slice3A : vector<512x1x100xi32> to vector<512x100xi32>
    %convert_element_type3A = arith.sitofp %squeeze3A : vector<512x100xi32> to vector<512x100xf32>
    %get3A_3 = arith.constant 0 : index
    %get3A_4 = arith.constant 0 : index
    %get3A_5 = vector.load %arg2[%get3A_3, %get3A_4] : memref<512x2xi32, #tpu.memory_space<vmem>>, vector<512x2xi32>
    %iota3A = tpu.iota {dimensions = array<i32: 1>} : vector<512x100xi32>
    %slice3A_6 = vector.extract_strided_slice %get3A_5 {offsets = [0, 0], sizes = [512, 1], strides = [1, 1]} : vector<512x2xi32> to vector<512x1xi32>
    %eq3A = vector.broadcast %slice3A_6 : vector<512x1xi32> to vector<512x100xi32>
    %eq3A_7 = arith.cmpi eq, %iota3A, %eq3A : vector<512x100xi32>
    %convert_element_type3A_8 = arith.extui %eq3A_7 : vector<512x100xi1> to vector<512x100xi32>
    %convert_element_type3A_9 = arith.sitofp %convert_element_type3A_8 : vector<512x100xi32> to vector<512x100xf32>
    %slice3A_10 = vector.extract_strided_slice %get3A_5 {offsets = [0, 1], sizes = [512, 1], strides = [1, 1]} : vector<512x2xi32> to vector<512x1xi32>
    %eq3A_11 = vector.broadcast %slice3A_10 : vector<512x1xi32> to vector<512x100xi32>
    %eq3A_12 = arith.cmpi eq, %iota3A, %eq3A_11 : vector<512x100xi32>
    %convert_element_type3A_13 = arith.extui %eq3A_12 : vector<512x100xi1> to vector<512x100xi32>
    %convert_element_type3A_14 = arith.sitofp %convert_element_type3A_13 : vector<512x100xi32> to vector<512x100xf32>
    %mul3A = arith.mulf %convert_element_type3A, %convert_element_type3A_9 : vector<512x100xf32>
    %reduce_sum3A = arith.constant dense<0.000000e+00> : vector<512xf32>
    %reduce_sum3A_15 = vector.multi_reduction <add>, %mul3A, %reduce_sum3A [1] : vector<512x100xf32> to vector<512xf32>
    %mul3A_16 = arith.mulf %convert_element_type3A, %convert_element_type3A_14 : vector<512x100xf32>
    %reduce_sum3A_17 = arith.constant dense<0.000000e+00> : vector<512xf32>
    %reduce_sum3A_18 = vector.multi_reduction <add>, %mul3A_16, %reduce_sum3A_17 [1] : vector<512x100xf32> to vector<512xf32>
    %convert_element_type3A_19 = arith.fptosi %reduce_sum3A_15 : vector<512xf32> to vector<512xi32>
    %slice3A_20 = vector.extract_strided_slice %get3A_5 {offsets = [0, 0], sizes = [512, 1], strides = [1, 1]} : vector<512x2xi32> to vector<512x1xi32>
    %squeeze3A_21 = vector.shape_cast %slice3A_20 : vector<512x1xi32> to vector<512xi32>
    %mul3A_22 = arith.constant 10000 : i32
    %mul3A_23 = vector.broadcast %mul3A_22 : i32 to vector<512xi32>
    %mul3A_24 = arith.muli %squeeze3A_21, %mul3A_23 : vector<512xi32>
    %add3A = arith.addi %convert_element_type3A_19, %mul3A_24 : vector<512xi32>
    %swap3A = arith.constant 0 : index
    %swap3A_25 = arith.constant 0 : index
    %swap3A_26 = vector.load %arg3[%swap3A, %swap3A_25] : memref<2x512xi32, #tpu.memory_space<vmem>>, vector<1x512xi32>
    %swap3A_27 = vector.shape_cast %swap3A_26 : vector<1x512xi32> to vector<512xi32>
    %swap3A_28 = vector.shape_cast %add3A : vector<512xi32> to vector<1x512xi32>
    tpu.vector_store %arg3[%swap3A, %swap3A_25], %swap3A_28 {strides = array<i32>} : memref<2x512xi32, #tpu.memory_space<vmem>>, vector<1x512xi32>,
    %convert_element_type3A_29 = arith.fptosi %reduce_sum3A_18 : vector<512xf32> to vector<512xi32>
    %slice3A_30 = vector.extract_strided_slice %get3A_5 {offsets = [0, 1], sizes = [512, 1], strides = [1, 1]} : vector<512x2xi32> to vector<512x1xi32>
    %squeeze3A_31 = vector.shape_cast %slice3A_30 : vector<512x1xi32> to vector<512xi32>
    %mul3A_32 = arith.constant 10000 : i32
    %mul3A_33 = vector.broadcast %mul3A_32 : i32 to vector<512xi32>
    %mul3A_34 = arith.muli %squeeze3A_31, %mul3A_33 : vector<512xi32>
    %add3A_35 = arith.addi %convert_element_type3A_29, %mul3A_34 : vector<512xi32>
    %swap3A_36 = arith.constant 1 : index
    %swap3A_37 = arith.constant 0 : index
    %swap3A_38 = vector.load %arg3[%swap3A_36, %swap3A_37] : memref<2x512xi32, #tpu.memory_space<vmem>>, vector<1x512xi32>
    %swap3A_39 = vector.shape_cast %swap3A_38 : vector<1x512xi32> to vector<512xi32>
    %swap3A_40 = vector.shape_cast %add3A_35 : vector<512xi32> to vector<1x512xi32>
    tpu.vector_store %arg3[%swap3A_36, %swap3A_37], %swap3A_40 {strides = array<i32>} : memref<2x512xi32, #tpu.memory_space<vmem>>, vector<1x512xi32>,
    return
  }
  func.func @transform_0(%arg0: i32) -> (i32, i32, i32) {
    %c0_i32 = arith.constant 0 : i32
    %c0_i32_0 = arith.constant 0 : i32
    %c0_i32_1 = arith.constant 0 : i32
    return %arg0, %c0_i32, %c0_i32_0 : i32, i32, i32
  }
  func.func @transform_1(%arg0: i32) -> (i32, i32) {
    %c0_i32 = arith.constant 0 : i32
    %c0_i32_0 = arith.constant 0 : i32
    return %arg0, %c0_i32 : i32, i32
  }
  func.func @transform_2(%arg0: i32) -> (i32, i32) {
    %c0_i32 = arith.constant 0 : i32
    %c0_i32_0 = arith.constant 0 : i32
    return %c0_i32, %arg0 : i32, i32
  }
}

module attributes {stable_mosaic.version = 14 : i64} {
  func.func @_tc_body(%arg0: i32, %arg1: memref<2x512x64xf32, #tpu.memory_space<vmem>>, %arg2: memref<512x2xi32, #tpu.memory_space<vmem>>, %arg3: memref<104x64xf32, #tpu.memory_space<vmem>>, %arg4: memref<100x128xf32, #tpu.memory_space<vmem>>, %arg5: memref<100xf32, #tpu.memory_space<vmem>>, %arg6: memref<2x512x64xf32, #tpu.memory_space<vmem>>, %arg7: memref<512x2xi32, #tpu.memory_space<vmem>>, %arg8: memref<512x100xf32, #tpu.memory_space<vmem>>) attributes {dimension_semantics = [#tpu.dimension_semantics<arbitrary>], iteration_bounds = array<i64: 8>, scalar_prefetch = 0 : i64, scratch_operands = 0 : i64, tpu.core_type = #tpu.core_type<tc>, window_params = [{transform_indices = @transform_0, window_bounds = array<i64: 2, 512, 64>}, {transform_indices = @transform_1, window_bounds = array<i64: 512, 2>}, {pipeline_mode = #tpu.pipeline_mode<synchronous>, transform_indices = @transform_2, window_bounds = array<i64: 104, 64>}, {pipeline_mode = #tpu.pipeline_mode<synchronous>, transform_indices = @transform_3, window_bounds = array<i64: 100, 128>}, {pipeline_mode = #tpu.pipeline_mode<synchronous>, transform_indices = @transform_4, window_bounds = array<i64: 100>}, {transform_indices = @transform_5, window_bounds = array<i64: 2, 512, 64>}, {transform_indices = @transform_6, window_bounds = array<i64: 512, 2>}, {transform_indices = @transform_7, window_bounds = array<i64: 512, 100>}]} {
    %get3A = arith.constant 0 : index
    %get3A_0 = arith.constant 0 : index
    %get3A_1 = vector.load %arg2[%get3A, %get3A_0] : memref<512x2xi32, #tpu.memory_space<vmem>>, vector<512x2xi32>
    %iota3A = tpu.iota {dimensions = array<i32: 1>} : vector<512x104xi32>
    %slice3A = vector.extract_strided_slice %get3A_1 {offsets = [0, 0], sizes = [512, 1], strides = [1, 1]} : vector<512x2xi32> to vector<512x1xi32>
    %add3A = arith.constant 1 : i32
    %add3A_2 = vector.broadcast %add3A : i32 to vector<512x1xi32>
    %add3A_3 = arith.addi %slice3A, %add3A_2 : vector<512x1xi32>
    %eq3A = vector.broadcast %add3A_3 : vector<512x1xi32> to vector<512x104xi32>
    %eq3A_4 = arith.cmpi eq, %iota3A, %eq3A : vector<512x104xi32>
    %convert_element_type3A = arith.extui %eq3A_4 : vector<512x104xi1> to vector<512x104xi32>
    %convert_element_type3A_5 = arith.sitofp %convert_element_type3A : vector<512x104xi32> to vector<512x104xf32>
    %slice3A_6 = vector.extract_strided_slice %get3A_1 {offsets = [0, 1], sizes = [512, 1], strides = [1, 1]} : vector<512x2xi32> to vector<512x1xi32>
    %add3A_7 = arith.constant 1 : i32
    %add3A_8 = vector.broadcast %add3A_7 : i32 to vector<512x1xi32>
    %add3A_9 = arith.addi %slice3A_6, %add3A_8 : vector<512x1xi32>
    %eq3A_10 = vector.broadcast %add3A_9 : vector<512x1xi32> to vector<512x104xi32>
    %eq3A_11 = arith.cmpi eq, %iota3A, %eq3A_10 : vector<512x104xi32>
    %convert_element_type3A_12 = arith.extui %eq3A_11 : vector<512x104xi1> to vector<512x104xi32>
    %convert_element_type3A_13 = arith.sitofp %convert_element_type3A_12 : vector<512x104xi32> to vector<512x104xf32>
    %get3A_14 = arith.constant 0 : index
    %get3A_15 = arith.constant 0 : index
    %get3A_16 = vector.load %arg3[%get3A_14, %get3A_15] : memref<104x64xf32, #tpu.memory_space<vmem>>, vector<104x64xf32>
    %dot_general3A = arith.constant dense<0.000000e+00> : vector<512x64xf32>
    %dot_general3A_17 = tpu.matmul %convert_element_type3A_5, %get3A_16, %dot_general3A {dimension_numbers = #tpu.dot_dimension_numbers<[1], [0], [0], [1], [0, 0, 1, 1], [], []>, precision = #tpu.contract_precision<fp32>, transpose_lhs_hint = false} : vector<512x104xf32>, vector<104x64xf32>, vector<512x64xf32> -> vector<512x64xf32>
    %get3A_18 = arith.constant 0 : index
    %get3A_19 = arith.constant 0 : index
    %get3A_20 = vector.load %arg3[%get3A_18, %get3A_19] : memref<104x64xf32, #tpu.memory_space<vmem>>, vector<104x64xf32>
    %dot_general3A_21 = arith.constant dense<0.000000e+00> : vector<512x64xf32>
    %dot_general3A_22 = tpu.matmul %convert_element_type3A_13, %get3A_20, %dot_general3A_21 {dimension_numbers = #tpu.dot_dimension_numbers<[1], [0], [0], [1], [0, 0, 1, 1], [], []>, precision = #tpu.contract_precision<fp32>, transpose_lhs_hint = false} : vector<512x104xf32>, vector<104x64xf32>, vector<512x64xf32> -> vector<512x64xf32>
    %get3A_23 = arith.constant 0 : index
    %get3A_24 = arith.constant 0 : index
    %get3A_25 = arith.constant 0 : index
    %get3A_26 = vector.load %arg1[%get3A_23, %get3A_24, %get3A_25] : memref<2x512x64xf32, #tpu.memory_space<vmem>>, vector<1x512x64xf32>
    %get3A_27 = vector.shape_cast %get3A_26 : vector<1x512x64xf32> to vector<512x64xf32>
    %add3A_28 = arith.addf %get3A_27, %dot_general3A_17 : vector<512x64xf32>
    %get3A_29 = arith.constant 1 : index
    %get3A_30 = arith.constant 0 : index
    %get3A_31 = arith.constant 0 : index
    %get3A_32 = vector.load %arg1[%get3A_29, %get3A_30, %get3A_31] : memref<2x512x64xf32, #tpu.memory_space<vmem>>, vector<1x512x64xf32>
    %get3A_33 = vector.shape_cast %get3A_32 : vector<1x512x64xf32> to vector<512x64xf32>
    %add3A_34 = arith.addf %get3A_33, %dot_general3A_22 : vector<512x64xf32>
    %swap3A = arith.constant 0 : index
    %swap3A_35 = arith.constant 0 : index
    %swap3A_36 = arith.constant 0 : index
    %swap3A_37 = vector.load %arg6[%swap3A, %swap3A_35, %swap3A_36] : memref<2x512x64xf32, #tpu.memory_space<vmem>>, vector<1x512x64xf32>
    %swap3A_38 = vector.shape_cast %swap3A_37 : vector<1x512x64xf32> to vector<512x64xf32>
    %swap3A_39 = vector.shape_cast %add3A_28 : vector<512x64xf32> to vector<1x512x64xf32>
    tpu.vector_store %arg6[%swap3A, %swap3A_35, %swap3A_36], %swap3A_39 {strides = array<i32>} : memref<2x512x64xf32, #tpu.memory_space<vmem>>, vector<1x512x64xf32>,
    %swap3A_40 = arith.constant 1 : index
    %swap3A_41 = arith.constant 0 : index
    %swap3A_42 = arith.constant 0 : index
    %swap3A_43 = vector.load %arg6[%swap3A_40, %swap3A_41, %swap3A_42] : memref<2x512x64xf32, #tpu.memory_space<vmem>>, vector<1x512x64xf32>
    %swap3A_44 = vector.shape_cast %swap3A_43 : vector<1x512x64xf32> to vector<512x64xf32>
    %swap3A_45 = vector.shape_cast %add3A_34 : vector<512x64xf32> to vector<1x512x64xf32>
    tpu.vector_store %arg6[%swap3A_40, %swap3A_41, %swap3A_42], %swap3A_45 {strides = array<i32>} : memref<2x512x64xf32, #tpu.memory_space<vmem>>, vector<1x512x64xf32>,
    %get3A_46 = arith.constant 0 : index
    %get3A_47 = arith.constant 0 : index
    %get3A_48 = vector.load %arg4[%get3A_46, %get3A_47] : memref<100x128xf32, #tpu.memory_space<vmem>>, vector<100x128xf32>
    %slice3A_49 = vector.extract_strided_slice %get3A_48 {offsets = [0, 0], sizes = [100, 64], strides = [1, 1]} : vector<100x128xf32> to vector<100x64xf32>
    %dot_general3A_50 = arith.constant dense<0.000000e+00> : vector<512x100xf32>
    %dot_general3A_51 = tpu.matmul %add3A_28, %slice3A_49, %dot_general3A_50 {dimension_numbers = #tpu.dot_dimension_numbers<[1], [1], [0], [0], [0, 0, 1, 0], [], []>, precision = #tpu.contract_precision<fp32>, transpose_lhs_hint = false} : vector<512x64xf32>, vector<100x64xf32>, vector<512x100xf32> -> vector<512x100xf32>
    %slice3A_52 = vector.extract_strided_slice %get3A_48 {offsets = [0, 64], sizes = [100, 64], strides = [1, 1]} : vector<100x128xf32> to vector<100x64xf32>
    %dot_general3A_53 = arith.constant dense<0.000000e+00> : vector<512x100xf32>
    %dot_general3A_54 = tpu.matmul %add3A_34, %slice3A_52, %dot_general3A_53 {dimension_numbers = #tpu.dot_dimension_numbers<[1], [1], [0], [0], [0, 0, 1, 0], [], []>, precision = #tpu.contract_precision<fp32>, transpose_lhs_hint = false} : vector<512x64xf32>, vector<100x64xf32>, vector<512x100xf32> -> vector<512x100xf32>
    %add3A_55 = arith.addf %dot_general3A_51, %dot_general3A_54 : vector<512x100xf32>
    %get3A_56 = arith.constant 0 : index
    %get3A_57 = vector.load %arg5[%get3A_56] : memref<100xf32, #tpu.memory_space<vmem>>, vector<100xf32>
    %broadcast_in_dim3A = vector.shape_cast %get3A_57 : vector<100xf32> to vector<1x100xf32>
    %add3A_58 = vector.broadcast %broadcast_in_dim3A : vector<1x100xf32> to vector<512x100xf32>
    %add3A_59 = arith.addf %add3A_55, %add3A_58 : vector<512x100xf32>
    %swap3A_60 = arith.constant 0 : index
    %swap3A_61 = arith.constant 0 : index
    %swap3A_62 = vector.load %arg8[%swap3A_60, %swap3A_61] : memref<512x100xf32, #tpu.memory_space<vmem>>, vector<512x100xf32>
    tpu.vector_store %arg8[%swap3A_60, %swap3A_61], %add3A_59 {strides = array<i32>} : memref<512x100xf32, #tpu.memory_space<vmem>>, vector<512x100xf32>,
    %eq3A_63 = arith.constant 0 : i32
    %eq3A_64 = vector.broadcast %eq3A_63 : i32 to vector<512x2xi32>
    %eq3A_65 = arith.cmpi eq, %get3A_1, %eq3A_64 : vector<512x2xi32>
    %swap3A_66 = arith.constant 0 : index
    %swap3A_67 = arith.constant 0 : index
    %swap3A_68 = vector.load %arg7[%swap3A_66, %swap3A_67] : memref<512x2xi32, #tpu.memory_space<vmem>>, vector<512x2xi32>
    %swap3A_69 = arith.extui %eq3A_65 : vector<512x2xi1> to vector<512x2xi32>
    %swap3A_70 = arith.constant dense<0> : vector<512x2xi32>
    %swap3A_71 = arith.cmpi ne, %swap3A_68, %swap3A_70 : vector<512x2xi32>
    tpu.vector_store %arg7[%swap3A_66, %swap3A_67], %swap3A_69 {strides = array<i32>} : memref<512x2xi32, #tpu.memory_space<vmem>>, vector<512x2xi32>,
    return
  }
  func.func @transform_0(%arg0: i32) -> (i32, i32, i32) {
    %c0_i32 = arith.constant 0 : i32
    %c0_i32_0 = arith.constant 0 : i32
    %c0_i32_1 = arith.constant 0 : i32
    return %c0_i32, %arg0, %c0_i32_0 : i32, i32, i32
  }
  func.func @transform_1(%arg0: i32) -> (i32, i32) {
    %c0_i32 = arith.constant 0 : i32
    %c0_i32_0 = arith.constant 0 : i32
    return %arg0, %c0_i32 : i32, i32
  }
  func.func @transform_2(%arg0: i32) -> (i32, i32) {
    %c0_i32 = arith.constant 0 : i32
    %c0_i32_0 = arith.constant 0 : i32
    %c0_i32_1 = arith.constant 0 : i32
    return %c0_i32, %c0_i32_0 : i32, i32
  }
  func.func @transform_3(%arg0: i32) -> (i32, i32) {
    %c0_i32 = arith.constant 0 : i32
    %c0_i32_0 = arith.constant 0 : i32
    %c0_i32_1 = arith.constant 0 : i32
    return %c0_i32, %c0_i32_0 : i32, i32
  }
  func.func @transform_4(%arg0: i32) -> i32 {
    %c0_i32 = arith.constant 0 : i32
    %c0_i32_0 = arith.constant 0 : i32
    return %c0_i32 : i32
  }
  func.func @transform_5(%arg0: i32) -> (i32, i32, i32) {
    %c0_i32 = arith.constant 0 : i32
    %c0_i32_0 = arith.constant 0 : i32
    %c0_i32_1 = arith.constant 0 : i32
    return %c0_i32, %arg0, %c0_i32_0 : i32, i32, i32
  }
  func.func @transform_6(%arg0: i32) -> (i32, i32) {
    %c0_i32 = arith.constant 0 : i32
    %c0_i32_0 = arith.constant 0 : i32
    return %arg0, %c0_i32 : i32, i32
  }
  func.func @transform_7(%arg0: i32) -> (i32, i32) {
    %c0_i32 = arith.constant 0 : i32
    %c0_i32_0 = arith.constant 0 : i32
    return %arg0, %c0_i32 : i32, i32
  }
}

</mosaic_0001>

<sc_bundles>
// kernel: kernel.5.cloned.1.call-start
scs
__scs_entry_jumppad:
0x0: {  	(pc) =	sbr.rel $0x88, $3  }
0x1: {  	(tag) =	ssettag $0x0;
	lr =	simm.s32 $0x1  }
0x2: {  	[smem:$0x3F9B] =	sst lr;
	_ =	strace $0xD0000000  }
0x3: {  	_ = 	snop  }
0x4: {  	_ = 	snop  }
0x5: {  	_ = 	snop  }
0x6: {  	_ = 	snop  }
0x7: {  	_ = 	snop  }
__scs_overlays_trampoline_lowered:
0x8: {  	[smem:$0x3FAA] =	sst s0  }
0x9: {  	[smem:$0x3FAB] =	sst s1  }
0xa: {  	[smem:$0x3FAC] =	sst s2  }
0xb: {  	[smem:$0x3FAD] =	sst s3  }
0xc: {  	[smem:$0x3FAE] =	sst s4  }
0xd: {  	[smem:$0x3FAF] =	sst s5  }
0xe: {  	[smem:$0x3FB0] =	sst s6  }
0xf: {  	[smem:$0x3FB1] =	sst s7  }
0x10: {  	[smem:$0x3FB2] =	sst s8  }
0x11: {  	[smem:$0x3FB3] =	sst s9;
	s0 =	simm.s32 @!p0 $0x0  }
0x12: {  	s1 =	sld [smem:$0x3F99];
	s0 =	simm.s32 @p0 $0x1  }
0x13: {  	[smem:$0x3FB4] =	sst s0;
	s0 =	simm.s32 @!p1 $0x0  }
0x14: {  	s2 =	sld [smem:$0x3F98];
	s0 =	simm.s32 @p1 $0x1  }
0x15: {  	[smem:$0x3FB5] =	sst s0;
	s0 =	simm.s32 @!p2 $0x0  }
0x16: {  	s3 =	sld [smem:$0x3FDB];
	s0 =	simm.s32 @p2 $0x1  }
0x17: {  	s4 =	simm.s32 $0x1BF5;
	[smem:$0x3FB7] =	sst s0  }
0x18: {  	s0 =	sld [smem:$0x3F9A];
	_ =	swait.ge [sflag:s4], $0x0  }
0x19: {  	s7 =	sld [smem:$0x3F9B]  }
0x1a: {  	s8 =	sadd.s32 $0xFFFFE003, lr  }
0x1b: {  	s9 =	sadd.s32 $0xFFFFFEF7, lr;
	s5 =	simm.s32 $0xFFFFFFFF;
	p2 =	slt.u32 s8, $0xFFFFF086  }
0x1c: {  	p1 =	slt.u32 s9, $0xF7A;
	s5 =	simm.s32 @!p2 $0x0  }
0x1d: {  	s5 =	simm.s32 @p1 $0x1;
	p0 =	seq.s32 s7, s2  }
0x1e: {  	s7 =	smul.u32 @!p0 $0xF7A, s2;
	p2 =	seq.s32 @!p0 s5, $0x0  }
0x1f: {  	s9 =	smul.u32 $0xF7A, s1;
	s8 =	simm.s32 @!p0 $0x1BF5;
	p2 =	por !p2, p0  }
0x20: {  	[sflag:s8] =	ssyncset.s32 @!p0 $0xFFFFF086;
	s6 =	sadd.s32 @!p0 s3, s7;
	s7 =	simm.s32 @!p0 $0x108  }
0x21: {  	s3 =	sadd.s32 s3, s9;
	s6 =	sadd.s32 @!p0 $0x88, s6;
	s7 =	simm.s32 @p2 $0x1082  }
0x22: {  	[simem:s7], [sflag:s8] =	dma.local @!p0 [hbm:s6], $0xF7A  }
0x23: {  	s9 =	sor.u32 $0xD0000000, s2;
	s6 =	simm.s32 $0x108;
	_ =	swait.ge @!p0 [sflag:s8], $0x0  }
0x24: {  	s3 =	sadd.s32 $0x88, s3;
	s6 =	simm.s32 @!p1 $0x1082;
	[sflag:s4] =	ssyncset.s32 $0xFFFFF086  }
0x25: {  	[simem:s6], [sflag:s4] =	dma.local [hbm:s3], $0xF7A  }
0x26: {  	[smem:$0x3F9B] =	sst s1;
	(tag) =	ssettag s2;
	_ =	strace s9  }
0x27: {  	s1 =	sld [smem:$0x3FAB]  }
0x28: {  	s2 =	sld [smem:$0x3FAC]  }
0x29: {  	s4 =	sld [smem:$0x3FAE]  }
0x2a: {  	p0 =	seq.s32 s5, $0x0;
	s5 =	sld [smem:$0x3FAF]  }
0x2b: {  	s6 =	sld [smem:$0x3FB0]  }
0x2c: {  	s7 =	sld [smem:$0x3FB1]  }
0x2d: {  	s3 =	simm.s32 $0x108;
	s8 =	sld [smem:$0x3FB2]  }
0x2e: {  	s3 =	simm.s32 @!p0 $0x1082;
	s9 =	sld [smem:$0x3FB3]  }
0x2f: {  	lr =	sadd.s32 s0, s3;
	s0 =	sld [smem:$0x3FAA]  }
0x30: {  	s3 =	sld [smem:$0x3FAD]  }
0x31: {  	[smem:$0x3FB6] =	sst s10  }
0x32: {  	s10 =	sld [smem:$0x3FB4];
	_ =	sdelay $0x3  }
0x33: {  	p0 =	seq.s32 s10, $0x1;
	s10 =	sld [smem:$0x3FB6];
	_ =	sdelay $0x3  }
0x34: {  	[smem:$0x3FB6] =	sst s10  }
0x35: {  	s10 =	sld [smem:$0x3FB5];
	_ =	sdelay $0x3  }
0x36: {  	p1 =	seq.s32 s10, $0x1;
	s10 =	sld [smem:$0x3FB6];
	_ =	sdelay $0x3  }
0x37: {  	[smem:$0x3FB6] =	sst s10  }
0x38: {  	s10 =	sld [smem:$0x3FB7]  }
0x39: {  	_ = 	snop;
	(pc) =	sbr.ind lr, $3  }
0x3a: {  	_ = 	snop  }
0x3b: {  	_ = 	snop  }
0x3c: {  	p2 =	seq.s32 s10, $0x1;
	s10 =	sld [smem:$0x3FB6]  }
0x3d: {  	_ =	shalt  }
0x3e: {  	_ =	shalt  }
0x3f: {  	_ =	shalt  }
0x40: {  	_ =	shalt  }
0x41: {  	_ =	shalt  }
0x42: {  	_ =	shalt  }
0x43: {  	_ =	shalt  }
0x44: {  	_ =	shalt  }
0x45: {  	_ =	shalt  }
0x46: {  	_ =	shalt  }
0x47: {  	_ =	shalt  }
0x48: {  	_ =	shalt  }
0x49: {  	_ =	shalt  }
0x4a: {  	_ =	shalt  }
0x4b: {  	_ =	shalt  }
0x4c: {  	_ =	shalt  }
0x4d: {  	_ =	shalt  }
0x4e: {  	_ =	shalt  }
0x4f: {  	_ =	shalt  }
0x50: {  	_ =	shalt  }
0x51: {  	_ =	shalt  }
0x52: {  	_ =	shalt  }
0x53: {  	_ =	shalt  }
0x54: {  	_ =	shalt  }
0x55: {  	_ =	shalt  }
0x56: {  	_ =	shalt  }
0x57: {  	_ =	shalt  }
0x58: {  	_ =	shalt  }
0x59: {  	_ =	shalt  }
0x5a: {  	_ =	shalt  }
0x5b: {  	_ =	shalt  }
0x5c: {  	_ =	shalt  }
0x5d: {  	_ =	shalt  }
0x5e: {  	_ =	shalt  }
0x5f: {  	_ =	shalt  }
0x60: {  	_ =	shalt  }
0x61: {  	_ =	shalt  }
0x62: {  	_ =	shalt  }
0x63: {  	_ =	shalt  }
0x64: {  	_ =	shalt  }
0x65: {  	_ =	shalt  }
0x66: {  	_ =	shalt  }
0x67: {  	_ =	shalt  }
0x68: {  	_ =	shalt  }
0x69: {  	_ =	shalt  }
0x6a: {  	_ =	shalt  }
0x6b: {  	_ =	shalt  }
0x6c: {  	_ =	shalt  }
0x6d: {  	_ =	shalt  }
0x6e: {  	_ =	shalt  }
0x6f: {  	_ =	shalt  }
0x70: {  	_ =	shalt  }
0x71: {  	_ =	shalt  }
0x72: {  	_ =	shalt  }
0x73: {  	_ =	shalt  }
0x74: {  	_ =	shalt  }
0x75: {  	_ =	shalt  }
0x76: {  	_ =	shalt  }
0x77: {  	_ =	shalt  }
0x78: {  	_ =	shalt  }
0x79: {  	_ =	shalt  }
0x7a: {  	_ =	shalt  }
0x7b: {  	_ =	shalt  }
0x7c: {  	_ =	shalt  }
0x7d: {  	_ =	shalt  }
0x7e: {  	_ =	shalt  }
0x7f: {  	_ =	shalt  }
0x80: {  	_ =	shalt  }
0x81: {  	_ =	shalt  }
0x82: {  	_ =	shalt  }
0x83: {  	_ =	shalt  }
0x84: {  	_ =	shalt  }
0x85: {  	_ =	shalt  }
0x86: {  	_ =	shalt  }
0x87: {  	_ =	shalt  }
.Lfunc_end0:
.L_simem_size_0:
called_computation_lowered:
.L_overlay_start_0:
0x88: {  	s2 =	sld [smem:$0x3FD9]  }
0x89: {  	s3 =	sld [smem:$0x3FFE];
	_ =	sdelay $0x1  }
0x8a: {  	s1 =	srdreg.scid  }
0x8b: {  	s0 =	sand.u32 $0x1, s1  }
0x8c: {  	s14 =	sshll.u32 s0, $0xA;
	s2 =	sadd.s32 s3, s2  }
0x8d: {  	s2 =	sadd.s32 s2, s14  }
0x8e: {  	[smem:$0x3FC2] =	sst s2  }
0x8f: {  	_ = 	snop  }
0x90: {  	s2 =	sld [smem:$0x3FD0];
	_ =	sdelay $0x2  }
0x91: {  	s15 =	simm.s32 $0xA;
	s4 =	simm.s32 $0x10  }
0x92: {  	[smem:s4], [sflag:s15] =	dma.local [hbm:s2], $0x1  }
0x93: {  	_ =	swait.eq [sflag:s15], $0x1  }
0x94: {  	[sflag:s15] =	ssyncset.done $0x0  }
0x95: {  	[sflag:s15] =	ssyncadd.s32 $0xFFFFFFFF  }
0x96: {  	s16 =	sld [smem:$0x12];
	(tm) =	ssettm $0x1  }
0x97: {  	s17 =	sld [smem:$0x3FFB];
	_ =	sdelay $0x3  }
0x98: {  	_ =	strace s17  }
0x99: {  	s3 =	sld [smem:$0x3FFC];
	_ =	sdelay $0x3  }
0x9a: {  	_ =	strace s3  }
0x9b: {  	s3 =	sld [smem:$0x3FFD];
	_ =	sdelay $0x3  }
0x9c: {  	_ =	strace s3  }
0x9d: {  	_ =	strace $0x8FFFFFFF  }
0x9e: {  	s18 =	sld [smem:$0x3FDB];
	_ =	sdelay $0x1  }
0x9f: {  	s19 =	simm.s32 $_scs_section_size  }
0xa0: {  	s5 =	simm.s32 $_size__tile_overlayer_lowered;
	s6 =	simm.s32 $_tile_overlayer_lowered  }
0xa1: {  	s22 =	simm.s32 $0x1BFF;
	s21 =	sshll.u32 s6, $0x1;
	s3 =	sadd.s32 s19, s18  }
0xa2: {  	s7 =	simm.s32 $0x0;
	s20 =	sshll.u32 s5, $0x1;
	s5 =	sadd.s32 s21, s3  }
0xa3: {  	[timem:s7], [sflag:s22] =	dma.local [hbm:s5], s20  }
0xa4: {  	_ =	swait.ge [sflag:s22], s20  }
0xa5: {  	s4 =	ssub.s32 $0x0, s20;
	[sflag:s22] =	ssyncset.done $0x0  }
0xa6: {  	[sflag:s22] =	ssyncadd.s32 s4;
	_ =	sdelay $0x1  }
0xa7: {  	s23 =	simm.s32 $0x1B8B  }
0xa8: {  	_ =	swait.ge [sflag:s23], $0x1  }
0xa9: {  	[sflag:s23] =	ssyncset.done $0x0  }
0xaa: {  	s25 =	simm.s32 $0x1B8E;
	s24 =	sld [smem:$0x3FFE];
	[sflag:s23] =	ssyncadd.s32 $0xFFFFFFFF  }
0xab: {  	s26 =	simm.s32 $execute0_lowered;
	[smem:$0x3FD2] =	sst s25  }
0xac: {  	s5 =	sshll.u32 s26, $0x1;
	_ =	strace $0x80000046;
	[dreg:$0x1] =	wrdreg $0xFFFFFFFF  }
0xad: {  	s28 =	simm.s32 $_size_execute0_lowered;
	s3 =	sadd.s32 s3, s5;
	[dreg:$0x0] =	wrdreg $0x0  }
0xae: {  	s5 =	sshll.u32 s28, $0x1;
	[dreg:$0x2] =	wrdreg s3  }
0xaf: {  	[dreg:$0x3] =	wrdreg s5  }
0xb0: {  	[dreg:$0x4] =	wrdreg $0xC0  }
0xb1: {  	_ =	task [dreg:s7], $0x5FFFF  }
0xb2: {  	[dreg:$0x1] =	wrdreg $0xFFFFFFFF  }
0xb3: {  	[dreg:$0x0] =	wrdreg $0x60  }
0xb4: {  	[dreg:$0x2] =	wrdreg s16  }
0xb5: {  	[dreg:$0x3] =	wrdreg s24  }
0xb6: {  	[dreg:$0x4] =	wrdreg $0x9  }
0xb7: {  	_ =	task.clear_ibuf [dreg:s7], $0x5FFFF;
	_ =	strace $0x90000046  }
0xb8: {  	s29 =	simm.s32 $0x9;
	_ =	strace $0x80000048  }
0xb9: {  	_ =	swait.ge [sflag:s29], $0x1  }
0xba: {  	[sflag:s29] =	ssyncadd.s32 $0xFFFFFFFF  }
0xbb: {  	_ =	strace $0x90000048  }
0xbc: {  	_ =	sfence  }
0xbd: {  	s30 =	sld [smem:$0x0];
	_ =	sdelay $0x2  }
0xbe: {  	s31 =	sshll.u32 s1, $0xD;
	s1 =	sshrl.u32 s1, $0x2  }
0xbf: {  	s3 =	sand.u32 $0x4000, s31;
	s1 =	sadd.s32 s1, s30  }
0xc0: {  	s0 =	sor.u32 s3, s0;
	s1 =	sshll.u32 s1, $0x11  }
0xc1: {  	s0 =	sor.u32 s1, s0  }
0xc2: {  	s0 =	sadd.s32 $0x8F2B, s0  }
0xc3: {  	[sflag:s0] =	ssyncadd.remote.s32 $0x1  }
0xc4: {  	_ =	sfence.sel $0xFFFF  }
0xc5: {  	[dreg:$0x0] =	wrdreg $0xFFFFFFFF;
	(pc) =	sbr.abs _section_cstart, $3  }
0xc6: {  	[dreg:$0x1] =	wrdreg $0xFFFFFFFF  }
0xc7: {  	_ =	task.clear_ibuf [dreg:s7], $0x2FFFF;
	_ =	strace $0x9FFFFFFF  }
0xc8: {  	(tm) =	ssettm $0x7FFFFFFF  }
0xc9: {  	_ =	shalt  }
tec
execute0_lowered:
.L_overlay_start_1:
0x0: {  	(tag) =	ssettag $0x1  }
0x1: {  	s3 =	rddreg [dreg:$0x0]  }
0x2: {  	s1 =	srdreg.scid;
	s0 =	stileid.u32  }
0x3: {  	s8 =	rddreg [dreg:$0x1];
	s7 =	simm.s32 $0x1;
	s6 =	sand.u32 $0x1, s1  }
0x4: {  	s2 =	sshll.u32 s0, $0x1;
	s1 =	rddreg [dreg:$0x2];
	s4 =	sshll.u32 s0, $0x6  }
0x5: {  	s9 =	sor.u32 s6, s2;
	s2 =	simm.s32 $0x0;
	s4 =	sand.u32 $0x200, s4  }
0x6: {  	s10 =	ssub.s32 $0x2, s6;
	s6 =	simm.s32 $0x100;
	s5 =	sshll.u32 s9, $0x5  }
0x7: {  	[smem:$0x7FF] =	sst s2;
	s3 =	sadd.s32 s3, s4;
	s5 =	sand.u32 $0x1E0, s5  }
0x8: {  	_ =	strace $0x80000047;
	s4 =	sadd.s32 s5, s3;
	s3 =	simm.s32 $0x2  }
0x9: {  	[tilespmem:s2], [sflag:$0x2] =	stream.linear.gather [hbm4b:s4+s2], $0x100, $0x38;
	[tilespmem:$0x4100] =	vst v63  }
0xa: {  	s9 =	sshll.u32 s9, $0xB;
	s11 =	sshrl.u32 s10, $0x1;
	_ =	swait.ge [sflag:s3], $0x100  }
0xb: {  	s31 =	ssub.s32 s10, s11;
	s5 =	sadd.s32 $0xF43600, s8;
	[sflag:s3] =	ssyncset.done $0x0  }
0xc: {  	s8 =	sadd.s32 s9, s8;
	s9 =	smax.u32 s31, $0x1;
	[sflag:s3] =	ssyncadd.s32 $0xFFFFFF00  }
0xd: {  	[tilespmem:s6], [sflag:$0x1] =	stream.indirect.gather [hbm4b:s5+s6], $0x40, s2, s6, $0xb8;
	[tilespmem:$0x4100] =	vst v63  }
0xe: {  	p0 =	sne.s32 s9, $0x1;
	_ =	swait.ge [sflag:s7], $0x4000  }
.Ltmp0:
0xf: {  	[sflag:s7] =	ssyncset.done $0x0;
	(pc) =	sbr.rel @!p0 .LBB2_2-.Ltmp0, $4  }
0x10: {  	s8 =	sadd.s32 $0x1000, s8;
	[sflag:s7] =	ssyncadd.s32 $0xFFFFC000  }
0x11: {  	[hbm4b:s8+s2] =	stream.linear.scatter [tilespmem:s6], [sflag:$0x2], $0x4000, $0x38;
	[tilespmem:$0x4100] =	vst v63  }
0x12: {  	_ =	swait.ge [sflag:s3], $0x4000  }
0x13: {  	s9 =	sadd.s32 $0xFFFFFFFF, s9;
	[sflag:s3] =	ssyncset.done $0x0  }
.LBB2_1:
0x14: {  	p0 =	sne.s32 s9, $0x1;
	s9 =	sadd.s32 $0xFFFFFFFF, s9;
	[sflag:s3] =	ssyncadd.s32 $0xFFFFC000  }
0x15: {  	[tilespmem:s2], [sflag:$0x2] =	stream.linear.gather [hbm4b:s4+s2], $0x100, $0x38;
	[tilespmem:$0x4100] =	vst v63  }
0x16: {  	_ =	swait.ge [sflag:s3], $0x100  }
0x17: {  	[sflag:s3] =	ssyncset.done $0x0  }
0x18: {  	[sflag:s3] =	ssyncadd.s32 $0xFFFFFF00  }
0x19: {  	[tilespmem:s6], [sflag:$0x1] =	stream.indirect.gather [hbm4b:s5+s6], $0x40, s2, s6, $0xb8;
	[tilespmem:$0x4100] =	vst v63  }
0x1a: {  	_ =	swait.ge [sflag:s7], $0x4000  }
.Ltmp1:
0x1b: {  	[sflag:s7] =	ssyncset.done $0x0;
	(pc) =	sbr.rel @p0 .LBB2_1-.Ltmp1, $4  }
0x1c: {  	[sflag:s7] =	ssyncadd.s32 $0xFFFFC000  }
0x1d: {  	[hbm4b:s8+s2] =	stream.linear.scatter [tilespmem:s6], [sflag:$0x2], $0x4000, $0x38;
	[tilespmem:$0x4100] =	vst v63  }
0x1e: {  	_ =	swait.ge [sflag:s3], $0x4000  }
0x1f: {  	[sflag:s3] =	ssyncset.done $0x0  }
.LBB2_2:
0x20: {  	[sflag:s3] =	ssyncadd.s32 $0xFFFFC000  }
0x21: {  	_ =	sfence.sel $0x180000  }
0x22: {  	[bflag:$0x0] =	sbarrier.arrive $0xFFFF  }
0x23: {  	p0 =	sne.s32 s0, $0x0;
	_ =	strace $0x90000047  }
0x24: {  	s0 =	sadd.s32 @!p0 $0x100000, s1;
	[bflag:$0x2] =	sbarrier.arrive $0xFFFF  }
0x25: {  	[sflag:s0] =	ssyncadd.tile.s32 @!p0 $0x1;
	_ =	shalt  }
.Lfunc_end2:
_tile_overlayer_lowered:
.L_overlay_start_2:
0x26: {  	(tag) =	ssettag $0x2  }
0x27: {  	s0 =	rddreg [dreg:$0x0];
	s2 =	stileid.u32  }
0x28: {  	s1 =	rddreg [dreg:$0x1];
	p0 =	sne.s32 s2, $0x0  }
0x29: {  	s3 =	rddreg [dreg:$0x2];
	[bflag:$0x3] =	sbarrier.arrive $0xFFFF;
	s2 =	simm.s32 @!p0 $0x1C02  }
0x2a: {  	[timem:s3], [sflag:s2] =	dma.local @!p0 [hbm:s0], s1  }
0x2b: {  	s0 =	simm.s32 @!p0 $0x2  }
0x2c: {  	_ =	swait.ge @!p0 [sflag:s0], s1  }
0x2d: {  	s1 =	ssub.s32 @!p0 $0x0, s1;
	[sflag:s0] =	ssyncset.done @!p0 $0x0  }
0x2e: {  	[sflag:s0] =	ssyncadd.s32 @!p0 s1  }
0x2f: {  	[bflag:$0x3] =	sbarrier.arrive $0xFFFF  }
0x30: {  	_ =	shalt  }

</sc_bundles>
